<compile_context>
chip_gen: v7x
topology: tpu7x:2x2x1
jax: 0.10.2.dev20260603
libtpu: 0.0.44.dev20260713+nightly
codegen_flags: <defaults>
</compile_context>

<pallas_src>
import functools

import jax
import jax.numpy as jnp
import numpy as np
from jax import lax
from jax.experimental import pallas as pl
from jax.experimental.pallas import tpu as pltpu
from jax.experimental.pallas import tpu_sc as plsc

_B, _T = 32, 200
_VOCAB = 100000
_D = 128
_N_SLOTS = 8192
_K = 4
_SEED = np.uint64(74565)
_GOLD = np.uint64(0x9E3779B97F4A7C15)

_TS = np.arange(0, _T - 1, 2)
_TS = _TS[_TS + 1 < _T - 1]
_P = _TS.shape[0]
_PP = 104
_PH = 56

_NC, _NS = 2, 16
_NW = _NC * _NS
_TILE_V = 25088
_NBLK = (_VOCAB + _TILE_V - 1) // _TILE_V


def _mix64(x):
    x = x ^ (x >> np.uint64(30))
    x = x * np.uint64(0xBF58476D1CE4E9B9)
    x = x ^ (x >> np.uint64(27))
    x = x * np.uint64(0x94D049BB133111EB)
    x = x ^ (x >> np.uint64(31))
    return x


def _slots_of(tok):
    h = _mix64(tok ^ _SEED)
    probe = jnp.arange(_K, dtype=jnp.uint64)
    return (_mix64(h[..., None] + probe * _GOLD) % np.uint64(_N_SLOTS)).astype(
        jnp.int32)


def _sc_gather(table, idx):
    mesh = plsc.VectorSubcoreMesh(core_axis_name="c", subcore_axis_name="s")

    @functools.partial(
        pl.kernel,
        mesh=mesh,
        out_type=jax.ShapeDtypeStruct((_B * _PP, _D), jnp.float32),
        scratch_types=[
            pltpu.VMEM((_PH,), jnp.int32),
            pltpu.VMEM((_PP - _PH,), jnp.int32),
            pltpu.VMEM((_PH, _D), jnp.float32),
            pltpu.VMEM((_PP - _PH, _D), jnp.float32),
            pltpu.SemaphoreType.DMA,
            pltpu.SemaphoreType.DMA,
        ],
    )
    def gather_kernel(table_hbm, idx_hbm, out_hbm, idx_a, idx_b, rows_a,
                      rows_b, sem_a, sem_b):
        wid = lax.axis_index("s") * _NC + lax.axis_index("c")
        base = wid * _PP
        pltpu.sync_copy(idx_hbm.at[pl.ds(base, _PH)], idx_a)
        ga = pltpu.async_copy(table_hbm.at[idx_a], rows_a, sem_a)
        pltpu.sync_copy(idx_hbm.at[pl.ds(base + _PH, _PP - _PH)], idx_b)
        gb = pltpu.async_copy(table_hbm.at[idx_b], rows_b, sem_b)
        ga.wait()
        pltpu.sync_copy(rows_a, out_hbm.at[pl.ds(base, _PH)])
        gb.wait()
        pltpu.sync_copy(rows_b, out_hbm.at[pl.ds(base + _PH, _PP - _PH)])

    return gather_kernel(table, idx)


def _tc_body(slots_ref, qslots_ref, rows_ref, w_ref, b_ref, out_ref, r_ref):
    i = pl.program_id(0)

    @pl.when(i == 0)
    def _():
        q = qslots_ref[...]
        c = jnp.zeros((_B, _PP), jnp.float32)
        for k in range(_K):
            sk = slots_ref[k]
            for kp in range(_K):
                c += (sk == q[:, kp][:, None]).astype(jnp.float32)
        rows = rows_ref[...]
        r = jnp.sum(c[:, :, None] * rows, axis=1)
        r_ref[...] = r * (1.0 / _K)

    out_ref[...] = (
        jax.lax.dot_general(
            r_ref[...], w_ref[...],
            dimension_numbers=(((1,), (1,)), ((), ())),
            preferred_element_type=jnp.float32,
        )
        + b_ref[...]
    )


def _i32(v):
    return jnp.asarray(v, dtype=jnp.int32)


def _tc_call(slots_t, qslots, rows, w, b2d):
    return pl.pallas_call(
        _tc_body,
        grid=(_NBLK,),
        in_specs=[
            pl.BlockSpec((_K, _B, _PP), lambda i: (_i32(0), _i32(0), _i32(0))),
            pl.BlockSpec((_B, _K), lambda i: (_i32(0), _i32(0))),
            pl.BlockSpec((_B, _PP, _D),
                         lambda i: (_i32(0), _i32(0), _i32(0))),
            pl.BlockSpec((_TILE_V, _D), lambda i: (i, _i32(0))),
            pl.BlockSpec((1, _TILE_V), lambda i: (_i32(0), i)),
        ],
        out_specs=pl.BlockSpec((_B, _TILE_V), lambda i: (_i32(0), i)),
        out_shape=jax.ShapeDtypeStruct((_B, _VOCAB), jnp.float32),
        scratch_shapes=[pltpu.VMEM((_B, _D), jnp.float32)],
    )(slots_t, qslots, rows, w, b2d)


def kernel(x, emb_table, W, b):
    keys = x[:, _TS].astype(jnp.uint64)
    vals = x[:, _TS + 1].astype(jnp.int32)
    slots = _slots_of(keys)
    qslots = _slots_of(x[:, -1].astype(jnp.uint64))

    slots = jnp.concatenate(
        [slots, jnp.full((_B, _PP - _P, _K), -1, jnp.int32)], axis=1)
    slots_t = slots.transpose(2, 0, 1)
    vals = jnp.concatenate(
        [vals, jnp.zeros((_B, _PP - _P), jnp.int32)], axis=1)

    rows = _sc_gather(emb_table, vals.reshape(-1))
    rows = rows.reshape(_B, _PP, _D)

    return _tc_call(slots_t, qslots, rows, W, b.reshape(1, _VOCAB))

# --- scband reference (transcript-rebuilt; emitter-appended) ---
"""Pipeline reference for scband-bbpmassociative-model-71708773974374 (READ-ONLY COPY).

The authoritative reference and input builder live on the scoring server;
editing this copy changes nothing except your own understanding.
"""

import jax, jax.numpy as jnp
import numpy as np
jax.config.update("jax_enable_x64", True)

B, T = 32, 200
VOCAB = 100000
D = 128
N_SLOTS = 8192
K_HASH = 4
SEED = np.uint64(74565)
GOLD = np.uint64(0x9E3779B97F4A7C15)


def mix64(x):
    # splitmix64 finalizer over uint64
    x = x ^ (x >> np.uint64(30))
    x = x * np.uint64(0xBF58476D1CE4E9B9)
    x = x ^ (x >> np.uint64(27))
    x = x * np.uint64(0x94D049BB133111EB)
    x = x ^ (x >> np.uint64(31))
    return x


def setup_inputs(seed: int = 0) -> dict:
    key = jax.random.key(seed)
    k1, k2, k3 = jax.random.split(key, 3)
    x = jax.random.randint(k1, (B, T), 0, VOCAB, dtype=jnp.int64)
    emb_table = jax.random.normal(k2, (VOCAB, D), dtype=jnp.float32) * 0.02
    W = jax.random.normal(k3, (VOCAB, D), dtype=jnp.float32) * 0.02
    b = jnp.zeros((VOCAB,), dtype=jnp.float32)
    return {"x": x, "emb_table": emb_table, "W": W, "b": b}


def reference(x, emb_table, W, b):
    # key/value pairs: t in range(0, T-1, 2) with t+1 < T-1
    ts = np.arange(0, T - 1, 2)
    ts = ts[ts + 1 < T - 1]
    P = ts.shape[0]

    keys = x[:, ts]                     # [B, P] int64 token ids
    vals = x[:, ts + 1]                 # [B, P]
    val_emb = emb_table[vals]           # [B, P, D] embedding lookup (gather)

    # BBPM write hashing: hx = mix64(key_id ^ master_seed); k slot probes
    hx = mix64(keys.astype(jnp.uint64) ^ SEED)                      # [B, P]
    probe = jnp.arange(K_HASH, dtype=jnp.uint64)
    slots = (mix64(hx[..., None] + probe * GOLD) % np.uint64(N_SLOTS)).astype(jnp.int64)  # [B, P, K]

    # per-sample memory, batched as one big row-sharded buffer
    boff = (jnp.arange(B, dtype=jnp.int64) * N_SLOTS)[:, None, None]
    flat_slots = (slots + boff).reshape(-1)                          # [B*P*K]
    flat_vals = jnp.broadcast_to(val_emb[:, :, None, :], (B, P, K_HASH, D)).reshape(-1, D)
    mem = jnp.zeros((B * N_SLOTS, D), dtype=val_emb.dtype).at[flat_slots].add(flat_vals)

    # read with query = last token
    q = x[:, -1]
    hq = mix64(q.astype(jnp.uint64) ^ SEED)                          # [B]
    qslots = (mix64(hq[:, None] + probe * GOLD) % np.uint64(N_SLOTS)).astype(jnp.int64)
    qslots = qslots + (jnp.arange(B, dtype=jnp.int64) * N_SLOTS)[:, None]  # [B, K]
    r = mem[qslots.reshape(-1)].reshape(B, K_HASH, D).mean(axis=1)   # [B, D]

    return r @ W.T + b                                               # [B, VOCAB]

if __name__ == "__main__":
    import jax
    _d = setup_inputs()
    print(jax.jit(kernel)(*tuple(_d.values())))

</pallas_src>

<mosaic_0001>
#map = affine_map<(d0, d1) -> (0, 0)>
#map1 = affine_map<(d0, d1) -> (0)>
module attributes {stable_mosaic.version = 14 : i64} {
  func.func @gather_kernel(%arg0: i32, %arg1: i32, %arg2: memref<100000x128xf32, #tpu.memory_space<hbm>>, %arg3: memref<3328xi32, #tpu.memory_space<hbm>>, %arg4: memref<3328x128xf32, #tpu.memory_space<hbm>>, %arg5: memref<56xi32, #tpu.memory_space<vmem>>, %arg6: memref<48xi32, #tpu.memory_space<vmem>>, %arg7: memref<56x128xf32, #tpu.memory_space<vmem>>, %arg8: memref<48x128xf32, #tpu.memory_space<vmem>>, %arg9: memref<!tpu.dma_semaphore, #tpu.memory_space<semaphore_mem>>, %arg10: memref<!tpu.dma_semaphore, #tpu.memory_space<semaphore_mem>>) attributes {dimension_semantics = [#tpu.dimension_semantics<core_parallel>, #tpu.dimension_semantics<subcore_parallel>], iteration_bounds = array<i64: 2, 16>, scalar_prefetch = 0 : i64, scratch_operands = 6 : i64, tpu.core_type = #tpu.core_type<sc_vector_subcore>, window_params = [{transform_indices = #map}, {transform_indices = #map1}, {transform_indices = #map}]} {
    %mul3A = arith.constant 2 : i32
    %mul3A_0 = arith.muli %arg1, %mul3A : i32
    %add3A = arith.addi %mul3A_0, %arg0 : i32
    %mul3A_1 = arith.constant 104 : i32
    %mul3A_2 = arith.muli %add3A, %mul3A_1 : i32
    "tpu.region"() ({
      %run_scoped3A = tpu.sem_alloc : memref<!tpu.dma_semaphore, #tpu.memory_space<semaphore_mem>>
      %dma_start3A_17 = tpu.memref_slice %arg3[%mul3A_2] : memref<3328xi32, #tpu.memory_space<hbm>> -> memref<56xi32, #tpu.memory_space<hbm>>
      %dma_start3A_18 = tpu.memref_slice %arg3[%mul3A_2] : memref<3328xi32, #tpu.memory_space<hbm>> -> memref<56xi32, #tpu.memory_space<hbm>>
      tpu.enqueue_dma source(%dma_start3A_18 : memref<56xi32, #tpu.memory_space<hbm>>) target(%arg5 : memref<56xi32, #tpu.memory_space<vmem>>) target_semaphore(%run_scoped3A : memref<!tpu.dma_semaphore, #tpu.memory_space<semaphore_mem>>)
      %dma_wait3A_19 = tpu.memref_slice %arg3[%mul3A_2] : memref<3328xi32, #tpu.memory_space<hbm>> -> memref<56xi32, #tpu.memory_space<hbm>>
      %dma_wait3A_20 = tpu.memref_slice %arg3[%mul3A_2] : memref<3328xi32, #tpu.memory_space<hbm>> -> memref<56xi32, #tpu.memory_space<hbm>>
      tpu.wait_dma2 semaphore(%run_scoped3A : memref<!tpu.dma_semaphore, #tpu.memory_space<semaphore_mem>>) src(%dma_wait3A_20 : memref<56xi32, #tpu.memory_space<hbm>>) dst(%arg5 : memref<56xi32, #tpu.memory_space<vmem>>)
      tpu.yield
    }) : () -> ()
    %dma_start3A = arith.constant 0 : i32
    %dma_start3A_3 = arith.constant 0 : i32
    %dma_start3A_4 = tpu.memref_slice %arg2[%dma_start3A, %dma_start3A_3] : memref<100000x128xf32, #tpu.memory_space<hbm>> -> memref<100000x128xf32, #tpu.memory_space<hbm>>
    tpu.enqueue_indirect_dma source(%dma_start3A_4 : memref<100000x128xf32, #tpu.memory_space<hbm>>) target(%arg7 : memref<56x128xf32, #tpu.memory_space<vmem>>) offsets(%arg5 : memref<56xi32, #tpu.memory_space<vmem>>) semaphore(%arg9 : memref<!tpu.dma_semaphore, #tpu.memory_space<semaphore_mem>>)
    %add3A_5 = arith.constant 56 : i32
    %add3A_6 = arith.addi %mul3A_2, %add3A_5 : i32
    "tpu.region"() ({
      %run_scoped3A = tpu.sem_alloc : memref<!tpu.dma_semaphore, #tpu.memory_space<semaphore_mem>>
      %dma_start3A_17 = tpu.memref_slice %arg3[%add3A_6] : memref<3328xi32, #tpu.memory_space<hbm>> -> memref<48xi32, #tpu.memory_space<hbm>>
      %dma_start3A_18 = tpu.memref_slice %arg3[%add3A_6] : memref<3328xi32, #tpu.memory_space<hbm>> -> memref<48xi32, #tpu.memory_space<hbm>>
      tpu.enqueue_dma source(%dma_start3A_18 : memref<48xi32, #tpu.memory_space<hbm>>) target(%arg6 : memref<48xi32, #tpu.memory_space<vmem>>) target_semaphore(%run_scoped3A : memref<!tpu.dma_semaphore, #tpu.memory_space<semaphore_mem>>)
      %dma_wait3A_19 = tpu.memref_slice %arg3[%add3A_6] : memref<3328xi32, #tpu.memory_space<hbm>> -> memref<48xi32, #tpu.memory_space<hbm>>
      %dma_wait3A_20 = tpu.memref_slice %arg3[%add3A_6] : memref<3328xi32, #tpu.memory_space<hbm>> -> memref<48xi32, #tpu.memory_space<hbm>>
      tpu.wait_dma2 semaphore(%run_scoped3A : memref<!tpu.dma_semaphore, #tpu.memory_space<semaphore_mem>>) src(%dma_wait3A_20 : memref<48xi32, #tpu.memory_space<hbm>>) dst(%arg6 : memref<48xi32, #tpu.memory_space<vmem>>)
      tpu.yield
    }) : () -> ()
    %dma_start3A_7 = arith.constant 0 : i32
    %dma_start3A_8 = arith.constant 0 : i32
    %dma_start3A_9 = tpu.memref_slice %arg2[%dma_start3A_7, %dma_start3A_8] : memref<100000x128xf32, #tpu.memory_space<hbm>> -> memref<100000x128xf32, #tpu.memory_space<hbm>>
    tpu.enqueue_indirect_dma source(%dma_start3A_9 : memref<100000x128xf32, #tpu.memory_space<hbm>>) target(%arg8 : memref<48x128xf32, #tpu.memory_space<vmem>>) offsets(%arg6 : memref<48xi32, #tpu.memory_space<vmem>>) semaphore(%arg10 : memref<!tpu.dma_semaphore, #tpu.memory_space<semaphore_mem>>)
    %dma_wait3A = arith.constant 0 : i32
    %dma_wait3A_10 = arith.constant 0 : i32
    %dma_wait3A_11 = tpu.memref_slice %arg2[%dma_wait3A, %dma_wait3A_10] : memref<100000x128xf32, #tpu.memory_space<hbm>> -> memref<100000x128xf32, #tpu.memory_space<hbm>>
    tpu.wait_indirect_dma semaphore(%arg9 : memref<!tpu.dma_semaphore, #tpu.memory_space<semaphore_mem>>) src(%dma_wait3A_11 : memref<100000x128xf32, #tpu.memory_space<hbm>>) dst(%arg7 : memref<56x128xf32, #tpu.memory_space<vmem>>)
    "tpu.region"() ({
      %run_scoped3A = tpu.sem_alloc : memref<!tpu.dma_semaphore, #tpu.memory_space<semaphore_mem>>
      %dma_start3A_17 = arith.constant 0 : i32
      %dma_start3A_18 = tpu.memref_slice %arg4[%mul3A_2, %dma_start3A_17] : memref<3328x128xf32, #tpu.memory_space<hbm>> -> memref<56x128xf32, #tpu.memory_space<hbm>>
      %dma_start3A_19 = arith.constant 0 : i32
      %dma_start3A_20 = tpu.memref_slice %arg4[%mul3A_2, %dma_start3A_19] : memref<3328x128xf32, #tpu.memory_space<hbm>> -> memref<56x128xf32, #tpu.memory_space<hbm>>
      tpu.enqueue_dma source(%arg7 : memref<56x128xf32, #tpu.memory_space<vmem>>) target(%dma_start3A_20 : memref<56x128xf32, #tpu.memory_space<hbm>>) target_semaphore(%run_scoped3A : memref<!tpu.dma_semaphore, #tpu.memory_space<semaphore_mem>>)
      %dma_wait3A_21 = arith.constant 0 : i32
      %dma_wait3A_22 = tpu.memref_slice %arg4[%mul3A_2, %dma_wait3A_21] : memref<3328x128xf32, #tpu.memory_space<hbm>> -> memref<56x128xf32, #tpu.memory_space<hbm>>
      %dma_wait3A_23 = arith.constant 0 : i32
      %dma_wait3A_24 = tpu.memref_slice %arg4[%mul3A_2, %dma_wait3A_23] : memref<3328x128xf32, #tpu.memory_space<hbm>> -> memref<56x128xf32, #tpu.memory_space<hbm>>
      tpu.wait_dma2 semaphore(%run_scoped3A : memref<!tpu.dma_semaphore, #tpu.memory_space<semaphore_mem>>) src(%arg7 : memref<56x128xf32, #tpu.memory_space<vmem>>) dst(%dma_wait3A_24 : memref<56x128xf32, #tpu.memory_space<hbm>>)
      tpu.yield
    }) : () -> ()
    %dma_wait3A_12 = arith.constant 0 : i32
    %dma_wait3A_13 = arith.constant 0 : i32
    %dma_wait3A_14 = tpu.memref_slice %arg2[%dma_wait3A_12, %dma_wait3A_13] : memref<100000x128xf32, #tpu.memory_space<hbm>> -> memref<100000x128xf32, #tpu.memory_space<hbm>>
    tpu.wait_indirect_dma semaphore(%arg10 : memref<!tpu.dma_semaphore, #tpu.memory_space<semaphore_mem>>) src(%dma_wait3A_14 : memref<100000x128xf32, #tpu.memory_space<hbm>>) dst(%arg8 : memref<48x128xf32, #tpu.memory_space<vmem>>)
    %add3A_15 = arith.constant 56 : i32
    %add3A_16 = arith.addi %mul3A_2, %add3A_15 : i32
    "tpu.region"() ({
      %run_scoped3A = tpu.sem_alloc : memref<!tpu.dma_semaphore, #tpu.memory_space<semaphore_mem>>
      %dma_start3A_17 = arith.constant 0 : i32
      %dma_start3A_18 = tpu.memref_slice %arg4[%add3A_16, %dma_start3A_17] : memref<3328x128xf32, #tpu.memory_space<hbm>> -> memref<48x128xf32, #tpu.memory_space<hbm>>
      %dma_start3A_19 = arith.constant 0 : i32
      %dma_start3A_20 = tpu.memref_slice %arg4[%add3A_16, %dma_start3A_19] : memref<3328x128xf32, #tpu.memory_space<hbm>> -> memref<48x128xf32, #tpu.memory_space<hbm>>
      tpu.enqueue_dma source(%arg8 : memref<48x128xf32, #tpu.memory_space<vmem>>) target(%dma_start3A_20 : memref<48x128xf32, #tpu.memory_space<hbm>>) target_semaphore(%run_scoped3A : memref<!tpu.dma_semaphore, #tpu.memory_space<semaphore_mem>>)
      %dma_wait3A_21 = arith.constant 0 : i32
      %dma_wait3A_22 = tpu.memref_slice %arg4[%add3A_16, %dma_wait3A_21] : memref<3328x128xf32, #tpu.memory_space<hbm>> -> memref<48x128xf32, #tpu.memory_space<hbm>>
      %dma_wait3A_23 = arith.constant 0 : i32
      %dma_wait3A_24 = tpu.memref_slice %arg4[%add3A_16, %dma_wait3A_23] : memref<3328x128xf32, #tpu.memory_space<hbm>> -> memref<48x128xf32, #tpu.memory_space<hbm>>
      tpu.wait_dma2 semaphore(%run_scoped3A : memref<!tpu.dma_semaphore, #tpu.memory_space<semaphore_mem>>) src(%arg8 : memref<48x128xf32, #tpu.memory_space<vmem>>) dst(%dma_wait3A_24 : memref<48x128xf32, #tpu.memory_space<hbm>>)
      tpu.yield
    }) : () -> ()
    return
  }
}

module attributes {stable_mosaic.version = 14 : i64} {
  func.func @_tc_body(%arg0: i32, %arg1: memref<4x32x104xi32, #tpu.memory_space<vmem>>, %arg2: memref<32x4xi32, #tpu.memory_space<vmem>>, %arg3: memref<32x104x128xf32, #tpu.memory_space<vmem>>, %arg4: memref<25088x128xf32, #tpu.memory_space<vmem>>, %arg5: memref<1x25088xf32, #tpu.memory_space<vmem>>, %arg6: memref<32x25088xf32, #tpu.memory_space<vmem>>, %arg7: memref<32x128xf32, #tpu.memory_space<vmem>>) attributes {dimension_semantics = [#tpu.dimension_semantics<arbitrary>], iteration_bounds = array<i64: 4>, scalar_prefetch = 0 : i64, scratch_operands = 1 : i64, tpu.core_type = #tpu.core_type<tc>, window_params = [{pipeline_mode = #tpu.pipeline_mode<synchronous>, transform_indices = @transform_0, window_bounds = array<i64: 4, 32, 104>}, {pipeline_mode = #tpu.pipeline_mode<synchronous>, transform_indices = @transform_1, window_bounds = array<i64: 32, 4>}, {pipeline_mode = #tpu.pipeline_mode<synchronous>, transform_indices = @transform_2, window_bounds = array<i64: 32, 104, 128>}, {transform_indices = @transform_3, window_bounds = array<i64: 25088, 128>}, {transform_indices = @transform_4, window_bounds = array<i64: 1, 25088>}, {transform_indices = @transform_5, window_bounds = array<i64: 32, 25088>}]} {
    %eq3A = arith.constant 0 : i32
    %eq3A_0 = arith.cmpi eq, %arg0, %eq3A : i32
    %convert_element_type3A = arith.extui %eq3A_0 : i1 to i32
    %cond3A = arith.constant 0 : i32
    %cond3A_1 = arith.cmpi ne, %convert_element_type3A, %cond3A : i32
    scf.if %cond3A_1 {
      %get3A_14 = arith.constant 0 : index
      %get3A_15 = arith.constant 0 : index
      %get3A_16 = vector.load %arg2[%get3A_14, %get3A_15] : memref<32x4xi32, #tpu.memory_space<vmem>>, vector<32x4xi32>
      %broadcast_in_dim3A = arith.constant 0.000000e+00 : f32
      %broadcast_in_dim3A_17 = vector.broadcast %broadcast_in_dim3A : f32 to vector<32x104xf32>
      %get3A_18 = arith.constant 0 : index
      %get3A_19 = arith.constant 0 : index
      %get3A_20 = arith.constant 0 : index
      %get3A_21 = vector.load %arg1[%get3A_18, %get3A_19, %get3A_20] : memref<4x32x104xi32, #tpu.memory_space<vmem>>, vector<1x32x104xi32>
      %get3A_22 = vector.shape_cast %get3A_21 : vector<1x32x104xi32> to vector<32x104xi32>
      %slice3A = vector.extract_strided_slice %get3A_16 {offsets = [0, 0], sizes = [32, 1], strides = [1, 1]} : vector<32x4xi32> to vector<32x1xi32>
      %squeeze3A = vector.shape_cast %slice3A : vector<32x1xi32> to vector<32xi32>
      %broadcast_in_dim3A_23 = vector.shape_cast %squeeze3A : vector<32xi32> to vector<32x1xi32>
      %eq3A_24 = vector.broadcast %broadcast_in_dim3A_23 : vector<32x1xi32> to vector<32x104xi32>
      %eq3A_25 = arith.cmpi eq, %get3A_22, %eq3A_24 : vector<32x104xi32>
      %convert_element_type3A_26 = arith.extui %eq3A_25 : vector<32x104xi1> to vector<32x104xi32>
      %convert_element_type3A_27 = arith.sitofp %convert_element_type3A_26 : vector<32x104xi32> to vector<32x104xf32>
      %add3A_28 = arith.addf %broadcast_in_dim3A_17, %convert_element_type3A_27 : vector<32x104xf32>
      %slice3A_29 = vector.extract_strided_slice %get3A_16 {offsets = [0, 1], sizes = [32, 1], strides = [1, 1]} : vector<32x4xi32> to vector<32x1xi32>
      %squeeze3A_30 = vector.shape_cast %slice3A_29 : vector<32x1xi32> to vector<32xi32>
      %broadcast_in_dim3A_31 = vector.shape_cast %squeeze3A_30 : vector<32xi32> to vector<32x1xi32>
      %eq3A_32 = vector.broadcast %broadcast_in_dim3A_31 : vector<32x1xi32> to vector<32x104xi32>
      %eq3A_33 = arith.cmpi eq, %get3A_22, %eq3A_32 : vector<32x104xi32>
      %convert_element_type3A_34 = arith.extui %eq3A_33 : vector<32x104xi1> to vector<32x104xi32>
      %convert_element_type3A_35 = arith.sitofp %convert_element_type3A_34 : vector<32x104xi32> to vector<32x104xf32>
      %add3A_36 = arith.addf %add3A_28, %convert_element_type3A_35 : vector<32x104xf32>
      %slice3A_37 = vector.extract_strided_slice %get3A_16 {offsets = [0, 2], sizes = [32, 1], strides = [1, 1]} : vector<32x4xi32> to vector<32x1xi32>
      %squeeze3A_38 = vector.shape_cast %slice3A_37 : vector<32x1xi32> to vector<32xi32>
      %broadcast_in_dim3A_39 = vector.shape_cast %squeeze3A_38 : vector<32xi32> to vector<32x1xi32>
      %eq3A_40 = vector.broadcast %broadcast_in_dim3A_39 : vector<32x1xi32> to vector<32x104xi32>
      %eq3A_41 = arith.cmpi eq, %get3A_22, %eq3A_40 : vector<32x104xi32>
      %convert_element_type3A_42 = arith.extui %eq3A_41 : vector<32x104xi1> to vector<32x104xi32>
      %convert_element_type3A_43 = arith.sitofp %convert_element_type3A_42 : vector<32x104xi32> to vector<32x104xf32>
      %add3A_44 = arith.addf %add3A_36, %convert_element_type3A_43 : vector<32x104xf32>
      %slice3A_45 = vector.extract_strided_slice %get3A_16 {offsets = [0, 3], sizes = [32, 1], strides = [1, 1]} : vector<32x4xi32> to vector<32x1xi32>
      %squeeze3A_46 = vector.shape_cast %slice3A_45 : vector<32x1xi32> to vector<32xi32>
      %broadcast_in_dim3A_47 = vector.shape_cast %squeeze3A_46 : vector<32xi32> to vector<32x1xi32>
      %eq3A_48 = vector.broadcast %broadcast_in_dim3A_47 : vector<32x1xi32> to vector<32x104xi32>
      %eq3A_49 = arith.cmpi eq, %get3A_22, %eq3A_48 : vector<32x104xi32>
      %convert_element_type3A_50 = arith.extui %eq3A_49 : vector<32x104xi1> to vector<32x104xi32>
      %convert_element_type3A_51 = arith.sitofp %convert_element_type3A_50 : vector<32x104xi32> to vector<32x104xf32>
      %add3A_52 = arith.addf %add3A_44, %convert_element_type3A_51 : vector<32x104xf32>
      %get3A_53 = arith.constant 1 : index
      %get3A_54 = arith.constant 0 : index
      %get3A_55 = arith.constant 0 : index
      %get3A_56 = vector.load %arg1[%get3A_53, %get3A_54, %get3A_55] : memref<4x32x104xi32, #tpu.memory_space<vmem>>, vector<1x32x104xi32>
      %get3A_57 = vector.shape_cast %get3A_56 : vector<1x32x104xi32> to vector<32x104xi32>
      %slice3A_58 = vector.extract_strided_slice %get3A_16 {offsets = [0, 0], sizes = [32, 1], strides = [1, 1]} : vector<32x4xi32> to vector<32x1xi32>
      %squeeze3A_59 = vector.shape_cast %slice3A_58 : vector<32x1xi32> to vector<32xi32>
      %broadcast_in_dim3A_60 = vector.shape_cast %squeeze3A_59 : vector<32xi32> to vector<32x1xi32>
      %eq3A_61 = vector.broadcast %broadcast_in_dim3A_60 : vector<32x1xi32> to vector<32x104xi32>
      %eq3A_62 = arith.cmpi eq, %get3A_57, %eq3A_61 : vector<32x104xi32>
      %convert_element_type3A_63 = arith.extui %eq3A_62 : vector<32x104xi1> to vector<32x104xi32>
      %convert_element_type3A_64 = arith.sitofp %convert_element_type3A_63 : vector<32x104xi32> to vector<32x104xf32>
      %add3A_65 = arith.addf %add3A_52, %convert_element_type3A_64 : vector<32x104xf32>
      %slice3A_66 = vector.extract_strided_slice %get3A_16 {offsets = [0, 1], sizes = [32, 1], strides = [1, 1]} : vector<32x4xi32> to vector<32x1xi32>
      %squeeze3A_67 = vector.shape_cast %slice3A_66 : vector<32x1xi32> to vector<32xi32>
      %broadcast_in_dim3A_68 = vector.shape_cast %squeeze3A_67 : vector<32xi32> to vector<32x1xi32>
      %eq3A_69 = vector.broadcast %broadcast_in_dim3A_68 : vector<32x1xi32> to vector<32x104xi32>
      %eq3A_70 = arith.cmpi eq, %get3A_57, %eq3A_69 : vector<32x104xi32>
      %convert_element_type3A_71 = arith.extui %eq3A_70 : vector<32x104xi1> to vector<32x104xi32>
      %convert_element_type3A_72 = arith.sitofp %convert_element_type3A_71 : vector<32x104xi32> to vector<32x104xf32>
      %add3A_73 = arith.addf %add3A_65, %convert_element_type3A_72 : vector<32x104xf32>
      %slice3A_74 = vector.extract_strided_slice %get3A_16 {offsets = [0, 2], sizes = [32, 1], strides = [1, 1]} : vector<32x4xi32> to vector<32x1xi32>
      %squeeze3A_75 = vector.shape_cast %slice3A_74 : vector<32x1xi32> to vector<32xi32>
      %broadcast_in_dim3A_76 = vector.shape_cast %squeeze3A_75 : vector<32xi32> to vector<32x1xi32>
      %eq3A_77 = vector.broadcast %broadcast_in_dim3A_76 : vector<32x1xi32> to vector<32x104xi32>
      %eq3A_78 = arith.cmpi eq, %get3A_57, %eq3A_77 : vector<32x104xi32>
      %convert_element_type3A_79 = arith.extui %eq3A_78 : vector<32x104xi1> to vector<32x104xi32>
      %convert_element_type3A_80 = arith.sitofp %convert_element_type3A_79 : vector<32x104xi32> to vector<32x104xf32>
      %add3A_81 = arith.addf %add3A_73, %convert_element_type3A_80 : vector<32x104xf32>
      %slice3A_82 = vector.extract_strided_slice %get3A_16 {offsets = [0, 3], sizes = [32, 1], strides = [1, 1]} : vector<32x4xi32> to vector<32x1xi32>
      %squeeze3A_83 = vector.shape_cast %slice3A_82 : vector<32x1xi32> to vector<32xi32>
      %broadcast_in_dim3A_84 = vector.shape_cast %squeeze3A_83 : vector<32xi32> to vector<32x1xi32>
      %eq3A_85 = vector.broadcast %broadcast_in_dim3A_84 : vector<32x1xi32> to vector<32x104xi32>
      %eq3A_86 = arith.cmpi eq, %get3A_57, %eq3A_85 : vector<32x104xi32>
      %convert_element_type3A_87 = arith.extui %eq3A_86 : vector<32x104xi1> to vector<32x104xi32>
      %convert_element_type3A_88 = arith.sitofp %convert_element_type3A_87 : vector<32x104xi32> to vector<32x104xf32>
      %add3A_89 = arith.addf %add3A_81, %convert_element_type3A_88 : vector<32x104xf32>
      %get3A_90 = arith.constant 2 : index
      %get3A_91 = arith.constant 0 : index
      %get3A_92 = arith.constant 0 : index
      %get3A_93 = vector.load %arg1[%get3A_90, %get3A_91, %get3A_92] : memref<4x32x104xi32, #tpu.memory_space<vmem>>, vector<1x32x104xi32>
      %get3A_94 = vector.shape_cast %get3A_93 : vector<1x32x104xi32> to vector<32x104xi32>
      %slice3A_95 = vector.extract_strided_slice %get3A_16 {offsets = [0, 0], sizes = [32, 1], strides = [1, 1]} : vector<32x4xi32> to vector<32x1xi32>
      %squeeze3A_96 = vector.shape_cast %slice3A_95 : vector<32x1xi32> to vector<32xi32>
      %broadcast_in_dim3A_97 = vector.shape_cast %squeeze3A_96 : vector<32xi32> to vector<32x1xi32>
      %eq3A_98 = vector.broadcast %broadcast_in_dim3A_97 : vector<32x1xi32> to vector<32x104xi32>
      %eq3A_99 = arith.cmpi eq, %get3A_94, %eq3A_98 : vector<32x104xi32>
      %convert_element_type3A_100 = arith.extui %eq3A_99 : vector<32x104xi1> to vector<32x104xi32>
      %convert_element_type3A_101 = arith.sitofp %convert_element_type3A_100 : vector<32x104xi32> to vector<32x104xf32>
      %add3A_102 = arith.addf %add3A_89, %convert_element_type3A_101 : vector<32x104xf32>
      %slice3A_103 = vector.extract_strided_slice %get3A_16 {offsets = [0, 1], sizes = [32, 1], strides = [1, 1]} : vector<32x4xi32> to vector<32x1xi32>
      %squeeze3A_104 = vector.shape_cast %slice3A_103 : vector<32x1xi32> to vector<32xi32>
      %broadcast_in_dim3A_105 = vector.shape_cast %squeeze3A_104 : vector<32xi32> to vector<32x1xi32>
      %eq3A_106 = vector.broadcast %broadcast_in_dim3A_105 : vector<32x1xi32> to vector<32x104xi32>
      %eq3A_107 = arith.cmpi eq, %get3A_94, %eq3A_106 : vector<32x104xi32>
      %convert_element_type3A_108 = arith.extui %eq3A_107 : vector<32x104xi1> to vector<32x104xi32>
      %convert_element_type3A_109 = arith.sitofp %convert_element_type3A_108 : vector<32x104xi32> to vector<32x104xf32>
      %add3A_110 = arith.addf %add3A_102, %convert_element_type3A_109 : vector<32x104xf32>
      %slice3A_111 = vector.extract_strided_slice %get3A_16 {offsets = [0, 2], sizes = [32, 1], strides = [1, 1]} : vector<32x4xi32> to vector<32x1xi32>
      %squeeze3A_112 = vector.shape_cast %slice3A_111 : vector<32x1xi32> to vector<32xi32>
      %broadcast_in_dim3A_113 = vector.shape_cast %squeeze3A_112 : vector<32xi32> to vector<32x1xi32>
      %eq3A_114 = vector.broadcast %broadcast_in_dim3A_113 : vector<32x1xi32> to vector<32x104xi32>
      %eq3A_115 = arith.cmpi eq, %get3A_94, %eq3A_114 : vector<32x104xi32>
      %convert_element_type3A_116 = arith.extui %eq3A_115 : vector<32x104xi1> to vector<32x104xi32>
      %convert_element_type3A_117 = arith.sitofp %convert_element_type3A_116 : vector<32x104xi32> to vector<32x104xf32>
      %add3A_118 = arith.addf %add3A_110, %convert_element_type3A_117 : vector<32x104xf32>
      %slice3A_119 = vector.extract_strided_slice %get3A_16 {offsets = [0, 3], sizes = [32, 1], strides = [1, 1]} : vector<32x4xi32> to vector<32x1xi32>
      %squeeze3A_120 = vector.shape_cast %slice3A_119 : vector<32x1xi32> to vector<32xi32>
      %broadcast_in_dim3A_121 = vector.shape_cast %squeeze3A_120 : vector<32xi32> to vector<32x1xi32>
      %eq3A_122 = vector.broadcast %broadcast_in_dim3A_121 : vector<32x1xi32> to vector<32x104xi32>
      %eq3A_123 = arith.cmpi eq, %get3A_94, %eq3A_122 : vector<32x104xi32>
      %convert_element_type3A_124 = arith.extui %eq3A_123 : vector<32x104xi1> to vector<32x104xi32>
      %convert_element_type3A_125 = arith.sitofp %convert_element_type3A_124 : vector<32x104xi32> to vector<32x104xf32>
      %add3A_126 = arith.addf %add3A_118, %convert_element_type3A_125 : vector<32x104xf32>
      %get3A_127 = arith.constant 3 : index
      %get3A_128 = arith.constant 0 : index
      %get3A_129 = arith.constant 0 : index
      %get3A_130 = vector.load %arg1[%get3A_127, %get3A_128, %get3A_129] : memref<4x32x104xi32, #tpu.memory_space<vmem>>, vector<1x32x104xi32>
      %get3A_131 = vector.shape_cast %get3A_130 : vector<1x32x104xi32> to vector<32x104xi32>
      %slice3A_132 = vector.extract_strided_slice %get3A_16 {offsets = [0, 0], sizes = [32, 1], strides = [1, 1]} : vector<32x4xi32> to vector<32x1xi32>
      %squeeze3A_133 = vector.shape_cast %slice3A_132 : vector<32x1xi32> to vector<32xi32>
      %broadcast_in_dim3A_134 = vector.shape_cast %squeeze3A_133 : vector<32xi32> to vector<32x1xi32>
      %eq3A_135 = vector.broadcast %broadcast_in_dim3A_134 : vector<32x1xi32> to vector<32x104xi32>
      %eq3A_136 = arith.cmpi eq, %get3A_131, %eq3A_135 : vector<32x104xi32>
      %convert_element_type3A_137 = arith.extui %eq3A_136 : vector<32x104xi1> to vector<32x104xi32>
      %convert_element_type3A_138 = arith.sitofp %convert_element_type3A_137 : vector<32x104xi32> to vector<32x104xf32>
      %add3A_139 = arith.addf %add3A_126, %convert_element_type3A_138 : vector<32x104xf32>
      %slice3A_140 = vector.extract_strided_slice %get3A_16 {offsets = [0, 1], sizes = [32, 1], strides = [1, 1]} : vector<32x4xi32> to vector<32x1xi32>
      %squeeze3A_141 = vector.shape_cast %slice3A_140 : vector<32x1xi32> to vector<32xi32>
      %broadcast_in_dim3A_142 = vector.shape_cast %squeeze3A_141 : vector<32xi32> to vector<32x1xi32>
      %eq3A_143 = vector.broadcast %broadcast_in_dim3A_142 : vector<32x1xi32> to vector<32x104xi32>
      %eq3A_144 = arith.cmpi eq, %get3A_131, %eq3A_143 : vector<32x104xi32>
      %convert_element_type3A_145 = arith.extui %eq3A_144 : vector<32x104xi1> to vector<32x104xi32>
      %convert_element_type3A_146 = arith.sitofp %convert_element_type3A_145 : vector<32x104xi32> to vector<32x104xf32>
      %add3A_147 = arith.addf %add3A_139, %convert_element_type3A_146 : vector<32x104xf32>
      %slice3A_148 = vector.extract_strided_slice %get3A_16 {offsets = [0, 2], sizes = [32, 1], strides = [1, 1]} : vector<32x4xi32> to vector<32x1xi32>
      %squeeze3A_149 = vector.shape_cast %slice3A_148 : vector<32x1xi32> to vector<32xi32>
      %broadcast_in_dim3A_150 = vector.shape_cast %squeeze3A_149 : vector<32xi32> to vector<32x1xi32>
      %eq3A_151 = vector.broadcast %broadcast_in_dim3A_150 : vector<32x1xi32> to vector<32x104xi32>
      %eq3A_152 = arith.cmpi eq, %get3A_131, %eq3A_151 : vector<32x104xi32>
      %convert_element_type3A_153 = arith.extui %eq3A_152 : vector<32x104xi1> to vector<32x104xi32>
      %convert_element_type3A_154 = arith.sitofp %convert_element_type3A_153 : vector<32x104xi32> to vector<32x104xf32>
      %add3A_155 = arith.addf %add3A_147, %convert_element_type3A_154 : vector<32x104xf32>
      %slice3A_156 = vector.extract_strided_slice %get3A_16 {offsets = [0, 3], sizes = [32, 1], strides = [1, 1]} : vector<32x4xi32> to vector<32x1xi32>
      %squeeze3A_157 = vector.shape_cast %slice3A_156 : vector<32x1xi32> to vector<32xi32>
      %broadcast_in_dim3A_158 = vector.shape_cast %squeeze3A_157 : vector<32xi32> to vector<32x1xi32>
      %eq3A_159 = vector.broadcast %broadcast_in_dim3A_158 : vector<32x1xi32> to vector<32x104xi32>
      %eq3A_160 = arith.cmpi eq, %get3A_131, %eq3A_159 : vector<32x104xi32>
      %convert_element_type3A_161 = arith.extui %eq3A_160 : vector<32x104xi1> to vector<32x104xi32>
      %convert_element_type3A_162 = arith.sitofp %convert_element_type3A_161 : vector<32x104xi32> to vector<32x104xf32>
      %add3A_163 = arith.addf %add3A_155, %convert_element_type3A_162 : vector<32x104xf32>
      %get3A_164 = arith.constant 0 : index
      %get3A_165 = arith.constant 0 : index
      %get3A_166 = arith.constant 0 : index
      %get3A_167 = vector.load %arg3[%get3A_164, %get3A_165, %get3A_166] : memref<32x104x128xf32, #tpu.memory_space<vmem>>, vector<32x104x128xf32>
      %broadcast_in_dim3A_168 = vector.shape_cast %add3A_163 : vector<32x104xf32> to vector<32x104x1xf32>
      %mul3A = vector.broadcast %broadcast_in_dim3A_168 : vector<32x104x1xf32> to vector<32x104x128xf32>
      %mul3A_169 = arith.mulf %mul3A, %get3A_167 : vector<32x104x128xf32>
      %reduce_sum3A = arith.constant dense<0.000000e+00> : vector<32x128xf32>
      %reduce_sum3A_170 = vector.multi_reduction <add>, %mul3A_169, %reduce_sum3A [1] : vector<32x104x128xf32> to vector<32x128xf32>
      %mul3A_171 = arith.constant 2.500000e-01 : f32
      %mul3A_172 = vector.broadcast %mul3A_171 : f32 to vector<32x128xf32>
      %mul3A_173 = arith.mulf %reduce_sum3A_170, %mul3A_172 : vector<32x128xf32>
      %swap3A_174 = arith.constant 0 : index
      %swap3A_175 = arith.constant 0 : index
      %swap3A_176 = vector.load %arg7[%swap3A_174, %swap3A_175] : memref<32x128xf32, #tpu.memory_space<vmem>>, vector<32x128xf32>
      tpu.vector_store %arg7[%swap3A_174, %swap3A_175], %mul3A_173 {strides = array<i32>} : memref<32x128xf32, #tpu.memory_space<vmem>>, vector<32x128xf32>,
    } else {
    }
    %get3A = arith.constant 0 : index
    %get3A_2 = arith.constant 0 : index
    %get3A_3 = vector.load %arg7[%get3A, %get3A_2] : memref<32x128xf32, #tpu.memory_space<vmem>>, vector<32x128xf32>
    %get3A_4 = arith.constant 0 : index
    %get3A_5 = arith.constant 0 : index
    %get3A_6 = vector.load %arg4[%get3A_4, %get3A_5] : memref<25088x128xf32, #tpu.memory_space<vmem>>, vector<25088x128xf32>
    %dot_general3A = arith.constant dense<0.000000e+00> : vector<32x25088xf32>
    %dot_general3A_7 = tpu.matmul %get3A_3, %get3A_6, %dot_general3A {dimension_numbers = #tpu.dot_dimension_numbers<[1], [1], [0], [0], [0, 0, 1, 0], [], []>, transpose_lhs_hint = false} : vector<32x128xf32>, vector<25088x128xf32>, vector<32x25088xf32> -> vector<32x25088xf32>
    %get3A_8 = arith.constant 0 : index
    %get3A_9 = arith.constant 0 : index
    %get3A_10 = vector.load %arg5[%get3A_8, %get3A_9] : memref<1x25088xf32, #tpu.memory_space<vmem>>, vector<1x25088xf32>
    %add3A = vector.broadcast %get3A_10 : vector<1x25088xf32> to vector<32x25088xf32>
    %add3A_11 = arith.addf %dot_general3A_7, %add3A : vector<32x25088xf32>
    %swap3A = arith.constant 0 : index
    %swap3A_12 = arith.constant 0 : index
    %swap3A_13 = vector.load %arg6[%swap3A, %swap3A_12] : memref<32x25088xf32, #tpu.memory_space<vmem>>, vector<32x25088xf32>
    tpu.vector_store %arg6[%swap3A, %swap3A_12], %add3A_11 {strides = array<i32>} : memref<32x25088xf32, #tpu.memory_space<vmem>>, vector<32x25088xf32>,
    return
  }
  func.func @transform_0(%arg0: i32) -> (i32, i32, i32) {
    %c0_i32 = arith.constant 0 : i32
    %c0_i32_0 = arith.constant 0 : i32
    %c0_i32_1 = arith.constant 0 : i32
    %c0_i32_2 = arith.constant 0 : i32
    return %c0_i32, %c0_i32_0, %c0_i32_1 : i32, i32, i32
  }
  func.func @transform_1(%arg0: i32) -> (i32, i32) {
    %c0_i32 = arith.constant 0 : i32
    %c0_i32_0 = arith.constant 0 : i32
    %c0_i32_1 = arith.constant 0 : i32
    return %c0_i32, %c0_i32_0 : i32, i32
  }
  func.func @transform_2(%arg0: i32) -> (i32, i32, i32) {
    %c0_i32 = arith.constant 0 : i32
    %c0_i32_0 = arith.constant 0 : i32
    %c0_i32_1 = arith.constant 0 : i32
    %c0_i32_2 = arith.constant 0 : i32
    return %c0_i32, %c0_i32_0, %c0_i32_1 : i32, i32, i32
  }
  func.func @transform_3(%arg0: i32) -> (i32, i32) {
    %c0_i32 = arith.constant 0 : i32
    %c0_i32_0 = arith.constant 0 : i32
    return %arg0, %c0_i32 : i32, i32
  }
  func.func @transform_4(%arg0: i32) -> (i32, i32) {
    %c0_i32 = arith.constant 0 : i32
    %c0_i32_0 = arith.constant 0 : i32
    return %c0_i32, %arg0 : i32, i32
  }
  func.func @transform_5(%arg0: i32) -> (i32, i32) {
    %c0_i32 = arith.constant 0 : i32
    %c0_i32_0 = arith.constant 0 : i32
    return %c0_i32, %arg0 : i32, i32
  }
}

</mosaic_0001>

<sc_bundles>
// kernel: kernel.4.cloned.1.call-start
scs
__scs_entry_jumppad:
0x0: {  	(pc) =	sbr.rel $0x88, $3  }
0x1: {  	(tag) =	ssettag $0x0;
	lr =	simm.s32 $0x1  }
0x2: {  	[smem:$0x3F9D] =	sst lr;
	_ =	strace $0xD0000000  }
0x3: {  	_ = 	snop  }
0x4: {  	_ = 	snop  }
0x5: {  	_ = 	snop  }
0x6: {  	_ = 	snop  }
0x7: {  	_ = 	snop  }
__scs_overlays_trampoline_lowered:
0x8: {  	[smem:$0x3FAC] =	sst s0  }
0x9: {  	[smem:$0x3FAD] =	sst s1  }
0xa: {  	[smem:$0x3FAE] =	sst s2  }
0xb: {  	[smem:$0x3FAF] =	sst s3  }
0xc: {  	[smem:$0x3FB0] =	sst s4  }
0xd: {  	[smem:$0x3FB1] =	sst s5  }
0xe: {  	[smem:$0x3FB2] =	sst s6  }
0xf: {  	[smem:$0x3FB3] =	sst s7  }
0x10: {  	[smem:$0x3FB4] =	sst s8  }
0x11: {  	[smem:$0x3FB5] =	sst s9;
	s0 =	simm.s32 @!p0 $0x0  }
0x12: {  	s1 =	sld [smem:$0x3F9B];
	s0 =	simm.s32 @p0 $0x1  }
0x13: {  	[smem:$0x3FB6] =	sst s0;
	s0 =	simm.s32 @!p1 $0x0  }
0x14: {  	s2 =	sld [smem:$0x3F9A];
	s0 =	simm.s32 @p1 $0x1  }
0x15: {  	[smem:$0x3FB7] =	sst s0;
	s0 =	simm.s32 @!p2 $0x0  }
0x16: {  	s3 =	sld [smem:$0x3FDB];
	s0 =	simm.s32 @p2 $0x1  }
0x17: {  	s4 =	simm.s32 $0x1BF5;
	[smem:$0x3FB9] =	sst s0  }
0x18: {  	s0 =	sld [smem:$0x3F9C];
	_ =	swait.ge [sflag:s4], $0x0  }
0x19: {  	s7 =	sld [smem:$0x3F9D]  }
0x1a: {  	s8 =	sadd.s32 $0xFFFFE003, lr  }
0x1b: {  	s9 =	sadd.s32 $0xFFFFFEF7, lr;
	s5 =	simm.s32 $0xFFFFFFFF;
	p2 =	slt.u32 s8, $0xFFFFF086  }
0x1c: {  	p1 =	slt.u32 s9, $0xF7A;
	s5 =	simm.s32 @!p2 $0x0  }
0x1d: {  	s5 =	simm.s32 @p1 $0x1;
	p0 =	seq.s32 s7, s2  }
0x1e: {  	s7 =	smul.u32 @!p0 $0xF7A, s2;
	p2 =	seq.s32 @!p0 s5, $0x0  }
0x1f: {  	s9 =	smul.u32 $0xF7A, s1;
	s8 =	simm.s32 @!p0 $0x1BF5;
	p2 =	por !p2, p0  }
0x20: {  	[sflag:s8] =	ssyncset.s32 @!p0 $0xFFFFF086;
	s6 =	sadd.s32 @!p0 s3, s7;
	s7 =	simm.s32 @!p0 $0x108  }
0x21: {  	s3 =	sadd.s32 s3, s9;
	s6 =	sadd.s32 @!p0 $0x88, s6;
	s7 =	simm.s32 @p2 $0x1082  }
0x22: {  	[simem:s7], [sflag:s8] =	dma.local @!p0 [hbm:s6], $0xF7A  }
0x23: {  	s9 =	sor.u32 $0xD0000000, s2;
	s6 =	simm.s32 $0x108;
	_ =	swait.ge @!p0 [sflag:s8], $0x0  }
0x24: {  	s3 =	sadd.s32 $0x88, s3;
	s6 =	simm.s32 @!p1 $0x1082;
	[sflag:s4] =	ssyncset.s32 $0xFFFFF086  }
0x25: {  	[simem:s6], [sflag:s4] =	dma.local [hbm:s3], $0xF7A  }
0x26: {  	[smem:$0x3F9D] =	sst s1;
	(tag) =	ssettag s2;
	_ =	strace s9  }
0x27: {  	s1 =	sld [smem:$0x3FAD]  }
0x28: {  	s2 =	sld [smem:$0x3FAE]  }
0x29: {  	s4 =	sld [smem:$0x3FB0]  }
0x2a: {  	p0 =	seq.s32 s5, $0x0;
	s5 =	sld [smem:$0x3FB1]  }
0x2b: {  	s6 =	sld [smem:$0x3FB2]  }
0x2c: {  	s7 =	sld [smem:$0x3FB3]  }
0x2d: {  	s3 =	simm.s32 $0x108;
	s8 =	sld [smem:$0x3FB4]  }
0x2e: {  	s3 =	simm.s32 @!p0 $0x1082;
	s9 =	sld [smem:$0x3FB5]  }
0x2f: {  	lr =	sadd.s32 s0, s3;
	s0 =	sld [smem:$0x3FAC]  }
0x30: {  	s3 =	sld [smem:$0x3FAF]  }
0x31: {  	[smem:$0x3FB8] =	sst s10  }
0x32: {  	s10 =	sld [smem:$0x3FB6];
	_ =	sdelay $0x3  }
0x33: {  	p0 =	seq.s32 s10, $0x1;
	s10 =	sld [smem:$0x3FB8];
	_ =	sdelay $0x3  }
0x34: {  	[smem:$0x3FB8] =	sst s10  }
0x35: {  	s10 =	sld [smem:$0x3FB7];
	_ =	sdelay $0x3  }
0x36: {  	p1 =	seq.s32 s10, $0x1;
	s10 =	sld [smem:$0x3FB8];
	_ =	sdelay $0x3  }
0x37: {  	[smem:$0x3FB8] =	sst s10  }
0x38: {  	s10 =	sld [smem:$0x3FB9]  }
0x39: {  	_ = 	snop;
	(pc) =	sbr.ind lr, $3  }
0x3a: {  	_ = 	snop  }
0x3b: {  	_ = 	snop  }
0x3c: {  	p2 =	seq.s32 s10, $0x1;
	s10 =	sld [smem:$0x3FB8]  }
0x3d: {  	_ =	shalt  }
0x3e: {  	_ =	shalt  }
0x3f: {  	_ =	shalt  }
0x40: {  	_ =	shalt  }
0x41: {  	_ =	shalt  }
0x42: {  	_ =	shalt  }
0x43: {  	_ =	shalt  }
0x44: {  	_ =	shalt  }
0x45: {  	_ =	shalt  }
0x46: {  	_ =	shalt  }
0x47: {  	_ =	shalt  }
0x48: {  	_ =	shalt  }
0x49: {  	_ =	shalt  }
0x4a: {  	_ =	shalt  }
0x4b: {  	_ =	shalt  }
0x4c: {  	_ =	shalt  }
0x4d: {  	_ =	shalt  }
0x4e: {  	_ =	shalt  }
0x4f: {  	_ =	shalt  }
0x50: {  	_ =	shalt  }
0x51: {  	_ =	shalt  }
0x52: {  	_ =	shalt  }
0x53: {  	_ =	shalt  }
0x54: {  	_ =	shalt  }
0x55: {  	_ =	shalt  }
0x56: {  	_ =	shalt  }
0x57: {  	_ =	shalt  }
0x58: {  	_ =	shalt  }
0x59: {  	_ =	shalt  }
0x5a: {  	_ =	shalt  }
0x5b: {  	_ =	shalt  }
0x5c: {  	_ =	shalt  }
0x5d: {  	_ =	shalt  }
0x5e: {  	_ =	shalt  }
0x5f: {  	_ =	shalt  }
0x60: {  	_ =	shalt  }
0x61: {  	_ =	shalt  }
0x62: {  	_ =	shalt  }
0x63: {  	_ =	shalt  }
0x64: {  	_ =	shalt  }
0x65: {  	_ =	shalt  }
0x66: {  	_ =	shalt  }
0x67: {  	_ =	shalt  }
0x68: {  	_ =	shalt  }
0x69: {  	_ =	shalt  }
0x6a: {  	_ =	shalt  }
0x6b: {  	_ =	shalt  }
0x6c: {  	_ =	shalt  }
0x6d: {  	_ =	shalt  }
0x6e: {  	_ =	shalt  }
0x6f: {  	_ =	shalt  }
0x70: {  	_ =	shalt  }
0x71: {  	_ =	shalt  }
0x72: {  	_ =	shalt  }
0x73: {  	_ =	shalt  }
0x74: {  	_ =	shalt  }
0x75: {  	_ =	shalt  }
0x76: {  	_ =	shalt  }
0x77: {  	_ =	shalt  }
0x78: {  	_ =	shalt  }
0x79: {  	_ =	shalt  }
0x7a: {  	_ =	shalt  }
0x7b: {  	_ =	shalt  }
0x7c: {  	_ =	shalt  }
0x7d: {  	_ =	shalt  }
0x7e: {  	_ =	shalt  }
0x7f: {  	_ =	shalt  }
0x80: {  	_ =	shalt  }
0x81: {  	_ =	shalt  }
0x82: {  	_ =	shalt  }
0x83: {  	_ =	shalt  }
0x84: {  	_ =	shalt  }
0x85: {  	_ =	shalt  }
0x86: {  	_ =	shalt  }
0x87: {  	_ =	shalt  }
.Lfunc_end0:
.L_simem_size_0:
called_computation_lowered:
.L_overlay_start_0:
0x88: {  	s2 =	sld [smem:$0x3FD9]  }
0x89: {  	s3 =	sld [smem:$0x3FFE];
	_ =	sdelay $0x1  }
0x8a: {  	s1 =	srdreg.scid  }
0x8b: {  	s0 =	sand.u32 $0x1, s1  }
0x8c: {  	s17 =	sshll.u32 s0, $0xA;
	s2 =	sadd.s32 s3, s2  }
0x8d: {  	s2 =	sadd.s32 s2, s17  }
0x8e: {  	[smem:$0x3FC4] =	sst s2  }
0x8f: {  	_ = 	snop  }
0x90: {  	s2 =	sld [smem:$0x3FC8]  }
0x91: {  	s18 =	sld [smem:$0x3FD0];
	(tm) =	ssettm $0x1  }
0x92: {  	s4 =	sld [smem:$0x3FFB];
	_ =	sdelay $0x3  }
0x93: {  	_ =	strace s4  }
0x94: {  	s4 =	sld [smem:$0x3FFC];
	_ =	sdelay $0x3  }
0x95: {  	_ =	strace s4  }
0x96: {  	s4 =	sld [smem:$0x3FFD];
	_ =	sdelay $0x3  }
0x97: {  	_ =	strace s4  }
0x98: {  	_ =	strace $0x8FFFFFFF  }
0x99: {  	s19 =	sld [smem:$0x3FDB];
	_ =	sdelay $0x1  }
0x9a: {  	s5 =	simm.s32 $_scs_section_size  }
0x9b: {  	s6 =	simm.s32 $_size__tile_overlayer_lowered;
	s7 =	simm.s32 $_tile_overlayer_lowered  }
0x9c: {  	s22 =	simm.s32 $0x1BFF;
	s21 =	sshll.u32 s7, $0x1;
	s4 =	sadd.s32 s5, s19  }
0x9d: {  	s8 =	simm.s32 $0x0;
	s20 =	sshll.u32 s6, $0x1;
	s6 =	sadd.s32 s21, s4  }
0x9e: {  	[timem:s8], [sflag:s22] =	dma.local [hbm:s6], s20  }
0x9f: {  	_ =	swait.ge [sflag:s22], s20  }
0xa0: {  	s5 =	ssub.s32 $0x0, s20;
	[sflag:s22] =	ssyncset.done $0x0  }
0xa1: {  	[sflag:s22] =	ssyncadd.s32 s5;
	_ =	sdelay $0x1  }
0xa2: {  	s23 =	simm.s32 $0x1B8B  }
0xa3: {  	_ =	swait.ge [sflag:s23], $0x1  }
0xa4: {  	[sflag:s23] =	ssyncset.done $0x0  }
0xa5: {  	s25 =	simm.s32 $0x1B8E;
	s24 =	sld [smem:$0x3FFE];
	[sflag:s23] =	ssyncadd.s32 $0xFFFFFFFF  }
0xa6: {  	s26 =	simm.s32 $execute0_lowered;
	[smem:$0x3FD2] =	sst s25  }
0xa7: {  	s6 =	sshll.u32 s26, $0x1;
	_ =	strace $0x80000046;
	[dreg:$0x1] =	wrdreg $0xFFFFFFFF  }
0xa8: {  	s28 =	simm.s32 $_size_execute0_lowered;
	s4 =	sadd.s32 s4, s6;
	[dreg:$0x0] =	wrdreg $0x0  }
0xa9: {  	s6 =	sshll.u32 s28, $0x1;
	[dreg:$0x2] =	wrdreg s4  }
0xaa: {  	[dreg:$0x3] =	wrdreg s6  }
0xab: {  	[dreg:$0x4] =	wrdreg $0xC0  }
0xac: {  	_ =	task [dreg:s8], $0x5FFFF  }
0xad: {  	[dreg:$0x1] =	wrdreg $0xFFFFFFFF  }
0xae: {  	[dreg:$0x0] =	wrdreg $0x60  }
0xaf: {  	[dreg:$0x2] =	wrdreg s2  }
0xb0: {  	[dreg:$0x3] =	wrdreg s24  }
0xb1: {  	[dreg:$0x4] =	wrdreg s18  }
0xb2: {  	[dreg:$0x5] =	wrdreg $0x9  }
0xb3: {  	_ =	task.clear_ibuf [dreg:s8], $0x6FFFF;
	_ =	strace $0x90000046  }
0xb4: {  	s29 =	simm.s32 $0x9;
	_ =	strace $0x80000048  }
0xb5: {  	_ =	swait.ge [sflag:s29], $0x1  }
0xb6: {  	[sflag:s29] =	ssyncadd.s32 $0xFFFFFFFF  }
0xb7: {  	_ =	strace $0x90000048  }
0xb8: {  	_ =	sfence  }
0xb9: {  	s30 =	sld [smem:$0x0];
	_ =	sdelay $0x2  }
0xba: {  	s31 =	sshll.u32 s1, $0xD;
	s1 =	sshrl.u32 s1, $0x2  }
0xbb: {  	s3 =	sand.u32 $0x4000, s31;
	s1 =	sadd.s32 s1, s30  }
0xbc: {  	s0 =	sor.u32 s3, s0;
	s1 =	sshll.u32 s1, $0x11  }
0xbd: {  	s0 =	sor.u32 s1, s0  }
0xbe: {  	s0 =	sadd.s32 $0x8F2B, s0  }
0xbf: {  	[sflag:s0] =	ssyncadd.remote.s32 $0x1  }
0xc0: {  	_ =	sfence.sel $0xFFFF  }
0xc1: {  	[dreg:$0x0] =	wrdreg $0xFFFFFFFF;
	(pc) =	sbr.abs _section_cstart, $3  }
0xc2: {  	[dreg:$0x1] =	wrdreg $0xFFFFFFFF  }
0xc3: {  	_ =	task.clear_ibuf [dreg:s8], $0x2FFFF;
	_ =	strace $0x9FFFFFFF  }
0xc4: {  	(tm) =	ssettm $0x7FFFFFFF  }
0xc5: {  	_ =	shalt  }
tec
execute0_lowered:
.L_overlay_start_1:
0x0: {  	(tag) =	ssettag $0x1  }
0x1: {  	s1 =	srdreg.scid;
	s0 =	stileid.u32  }
0x2: {  	s2 =	rddreg [dreg:$0x0];
	s14 =	sand.u32 $0x1, s1;
	s29 =	sshll.u32 s0, $0x1  }
0x3: {  	s4 =	rddreg [dreg:$0x1];
	s13 =	sor.u32 s14, s29  }
0x4: {  	s15 =	rddreg [dreg:$0x2];
	s6 =	smul.u32 $0x68, s13  }
0x5: {  	s3 =	simm.s32 $0x0;
	s1 =	rddreg [dreg:$0x3]  }
0x6: {  	[smem:$0x7FF] =	sst s3;
	s8 =	sadd.s32 $0x1000, s4;
	s30 =	sshrl.u32 s6, $0x3  }
0x7: {  	s4 =	simm.s32 $0x3;
	_ =	strace $0x80000047;
	s5 =	sadd.s32 s8, s30  }
0x8: {  	[tilespmem:s3], [sflag:$0x3] =	stream.linear.gather [hbm4b:s5+s3], $0x38, $0x38;
	[tilespmem:$0x3500] =	vst v63  }
0x9: {  	_ =	swait.ge [sflag:s4], $0x38  }
0xa: {  	s7 =	simm.s32 $0x100;
	s16 =	sadd.s32 $0x38, s6;
	[sflag:s4] =	ssyncset.done $0x0  }
0xb: {  	s6 =	simm.s32 $0x38;
	s9 =	sshrl.u32 s16, $0x3;
	[sflag:s4] =	ssyncadd.s32 $0xFFFFFFC8  }
0xc: {  	[tilespmem:s7], [sflag:$0x1] =	stream.indirect.gather [hbm4b:s2+s6], $0x80, s3, s6, $0xb8;
	[tilespmem:$0x3500] =	vst v63  }
0xd: {  	s8 =	sadd.s32 s8, s9;
	s9 =	simm.s32 $0x80  }
0xe: {  	[tilespmem:s9], [sflag:$0x3] =	stream.linear.gather [hbm4b:s8+s3], $0x30, $0x38;
	[tilespmem:$0x3500] =	vst v63  }
0xf: {  	_ =	swait.ge [sflag:s4], $0x30  }
0x10: {  	s10 =	simm.s32 $0x30;
	[sflag:s4] =	ssyncset.done $0x0  }
0x11: {  	s11 =	simm.s32 $0x1D00;
	s12 =	simm.s32 $0x1;
	[sflag:s4] =	ssyncadd.s32 $0xFFFFFFD0  }
0x12: {  	[tilespmem:s11], [sflag:$0x2] =	stream.indirect.gather [hbm4b:s2+s10], $0x80, s9, s10, $0xb8;
	[tilespmem:$0x3500] =	vst v63  }
0x13: {  	s13 =	smul.u32 $0x680, s13;
	_ =	swait.ge [sflag:s12], $0x1C00  }
0x14: {  	[sflag:s12] =	ssyncset.done $0x0  }
0x15: {  	s17 =	ssub.s32 $0x2, s14;
	s13 =	sadd.s32 s15, s13;
	[sflag:s12] =	ssyncadd.s32 $0xFFFFE400  }
0x16: {  	[hbm4b:s13+s3] =	stream.linear.scatter [tilespmem:s7], [sflag:$0x3], $0x1C00, $0x38;
	[tilespmem:$0x3500] =	vst v63  }
0x17: {  	s18 =	sshrl.u32 s17, $0x1;
	_ =	swait.ge [sflag:s4], $0x1C00  }
0x18: {  	s17 =	ssub.s32 s17, s18;
	[sflag:s4] =	ssyncset.done $0x0  }
0x19: {  	s14 =	simm.s32 $0x2;
	s31 =	smax.u32 s17, $0x1;
	[sflag:s4] =	ssyncadd.s32 $0xFFFFE400  }
0x1a: {  	p0 =	sne.s32 s31, $0x1;
	_ =	swait.ge [sflag:s14], $0x1800  }
.Ltmp0:
0x1b: {  	s16 =	sshll.u32 s16, $0x4;
	[sflag:s14] =	ssyncset.done $0x0;
	(pc) =	sbr.rel @!p0 .LBB2_2-.Ltmp0, $4  }
0x1c: {  	s15 =	sadd.s32 s15, s16;
	[sflag:s14] =	ssyncadd.s32 $0xFFFFE800  }
0x1d: {  	[hbm4b:s15+s3] =	stream.linear.scatter [tilespmem:s11], [sflag:$0x3], $0x1800, $0x38;
	[tilespmem:$0x3500] =	vst v63  }
0x1e: {  	_ =	swait.ge [sflag:s4], $0x1800  }
0x1f: {  	s16 =	sadd.s32 $0xFFFFFFFF, s31;
	[sflag:s4] =	ssyncset.done $0x0  }
.LBB2_1:
0x20: {  	p0 =	sne.s32 s16, $0x1;
	s16 =	sadd.s32 $0xFFFFFFFF, s16;
	[sflag:s4] =	ssyncadd.s32 $0xFFFFE800  }
0x21: {  	[tilespmem:s3], [sflag:$0x3] =	stream.linear.gather [hbm4b:s5+s3], $0x38, $0x38;
	[tilespmem:$0x3500] =	vst v63  }
0x22: {  	_ =	swait.ge [sflag:s4], $0x38  }
0x23: {  	[sflag:s4] =	ssyncset.done $0x0  }
0x24: {  	[sflag:s4] =	ssyncadd.s32 $0xFFFFFFC8  }
0x25: {  	[tilespmem:s7], [sflag:$0x1] =	stream.indirect.gather [hbm4b:s2+s6], $0x80, s3, s6, $0xb8;
	[tilespmem:$0x3500] =	vst v63  }
0x26: {  	_ = 	snop  }
0x27: {  	[tilespmem:s9], [sflag:$0x3] =	stream.linear.gather [hbm4b:s8+s3], $0x30, $0x38;
	[tilespmem:$0x3500] =	vst v63  }
0x28: {  	_ =	swait.ge [sflag:s4], $0x30  }
0x29: {  	[sflag:s4] =	ssyncset.done $0x0  }
0x2a: {  	[sflag:s4] =	ssyncadd.s32 $0xFFFFFFD0  }
0x2b: {  	[tilespmem:s11], [sflag:$0x2] =	stream.indirect.gather [hbm4b:s2+s10], $0x80, s9, s10, $0xb8;
	[tilespmem:$0x3500] =	vst v63  }
0x2c: {  	_ =	swait.ge [sflag:s12], $0x1C00  }
0x2d: {  	[sflag:s12] =	ssyncset.done $0x0  }
0x2e: {  	[sflag:s12] =	ssyncadd.s32 $0xFFFFE400  }
0x2f: {  	[hbm4b:s13+s3] =	stream.linear.scatter [tilespmem:s7], [sflag:$0x3], $0x1C00, $0x38;
	[tilespmem:$0x3500] =	vst v63  }
0x30: {  	_ =	swait.ge [sflag:s4], $0x1C00  }
0x31: {  	[sflag:s4] =	ssyncset.done $0x0  }
0x32: {  	[sflag:s4] =	ssyncadd.s32 $0xFFFFE400  }
0x33: {  	_ =	swait.ge [sflag:s14], $0x1800  }
.Ltmp1:
0x34: {  	[sflag:s14] =	ssyncset.done $0x0;
	(pc) =	sbr.rel @p0 .LBB2_1-.Ltmp1, $4  }
0x35: {  	[sflag:s14] =	ssyncadd.s32 $0xFFFFE800  }
0x36: {  	[hbm4b:s15+s3] =	stream.linear.scatter [tilespmem:s11], [sflag:$0x3], $0x1800, $0x38;
	[tilespmem:$0x3500] =	vst v63  }
0x37: {  	_ =	swait.ge [sflag:s4], $0x1800  }
0x38: {  	[sflag:s4] =	ssyncset.done $0x0  }
.LBB2_2:
0x39: {  	[sflag:s4] =	ssyncadd.s32 $0xFFFFE800  }
0x3a: {  	_ =	sfence.sel $0x180000  }
0x3b: {  	[bflag:$0x0] =	sbarrier.arrive $0xFFFF  }
0x3c: {  	p0 =	sne.s32 s0, $0x0;
	_ =	strace $0x90000047  }
0x3d: {  	s0 =	sadd.s32 @!p0 $0x100000, s1;
	[bflag:$0x2] =	sbarrier.arrive $0xFFFF  }
0x3e: {  	[sflag:s0] =	ssyncadd.tile.s32 @!p0 $0x1;
	_ =	shalt  }
.Lfunc_end2:
_tile_overlayer_lowered:
.L_overlay_start_2:
0x3f: {  	(tag) =	ssettag $0x2  }
0x40: {  	s0 =	rddreg [dreg:$0x0];
	s2 =	stileid.u32  }
0x41: {  	s1 =	rddreg [dreg:$0x1];
	p0 =	sne.s32 s2, $0x0  }
0x42: {  	s3 =	rddreg [dreg:$0x2];
	[bflag:$0x3] =	sbarrier.arrive $0xFFFF;
	s2 =	simm.s32 @!p0 $0x1C03  }
0x43: {  	[timem:s3], [sflag:s2] =	dma.local @!p0 [hbm:s0], s1  }
0x44: {  	s0 =	simm.s32 @!p0 $0x3  }
0x45: {  	_ =	swait.ge @!p0 [sflag:s0], s1  }
0x46: {  	s1 =	ssub.s32 @!p0 $0x0, s1;
	[sflag:s0] =	ssyncset.done @!p0 $0x0  }
0x47: {  	[sflag:s0] =	ssyncadd.s32 @!p0 s1  }
0x48: {  	[bflag:$0x3] =	sbarrier.arrive $0xFFFF  }
0x49: {  	_ =	shalt  }

</sc_bundles>
